<compile_context>
chip_gen: v7x
topology: tpu7x:2x2x1
jax: 0.10.2.dev20260603
libtpu: 0.0.44.dev20260713+nightly
codegen_flags: <defaults>
</compile_context>

<pallas_src>
import functools

import jax
import jax.numpy as jnp
from jax import lax
from jax.experimental import pallas as pl
from jax.experimental.pallas import tpu as pltpu
from jax.experimental.pallas import tpu_sc as plsc

B = 16384
D = 64
_LANES = 16


def _make_sc_bias():
    info = plsc.get_sparse_core_info()
    nc, ns = info.num_cores, info.num_subcores
    nw = nc * ns
    bpw = B // nw
    mesh = plsc.VectorSubcoreMesh(core_axis_name="c", subcore_axis_name="s")

    @functools.partial(
        pl.kernel,
        mesh=mesh,
        out_type=jax.ShapeDtypeStruct((B,), jnp.float32),
        scratch_types=[
            pltpu.VMEM((bpw,), jnp.int32),
            pltpu.VMEM((bpw,), jnp.int32),
            pltpu.VMEM((bpw,), jnp.float32),
            pltpu.VMEM((bpw,), jnp.float32),
            pltpu.SemaphoreType.DMA,
            pltpu.SemaphoreType.DMA,
        ],
    )
    def sc_bias(uid_hbm, iid_hbm, bu_hbm, bi_hbm, out_hbm,
                uidx, iidx, urows, irows, sem_u, sem_i):
        wid = lax.axis_index("s") * nc + lax.axis_index("c")
        base = wid * bpw
        bu_flat = bu_hbm.at[0]
        bi_flat = bi_hbm.at[0]
        pltpu.sync_copy(uid_hbm.at[pl.ds(base, bpw)], uidx)
        pltpu.sync_copy(iid_hbm.at[pl.ds(base, bpw)], iidx)
        cu = pltpu.async_copy(bu_flat.at[uidx], urows, sem_u)
        ci = pltpu.async_copy(bi_flat.at[iidx], irows, sem_i)
        cu.wait()
        ci.wait()
        for j in range(bpw // _LANES):
            sl = pl.ds(j * _LANES, _LANES)
            urows[sl] = urows[sl] + irows[sl]
        pltpu.sync_copy(urows, out_hbm.at[pl.ds(base, bpw)])

    return sc_bias


_sc_bias = _make_sc_bias()

_TC_BLK = 16384


def _tc_body(w_ref, b_ref, f_ref, o_ref):
    o_ref[...] = jnp.sum(f_ref[...] * w_ref[...], axis=1) + b_ref[0, 0]


def _tc_matvec(fc_weight, fc_bias2, feature):
    return pl.pallas_call(
        _tc_body,
        grid=(B // _TC_BLK,),
        in_specs=[
            pl.BlockSpec((1, D), lambda i: (0, 0)),
            pl.BlockSpec((1, 1), lambda i: (0, 0)),
            pl.BlockSpec((_TC_BLK, D), lambda i: (i, 0)),
        ],
        out_specs=pl.BlockSpec((_TC_BLK,), lambda i: (i,)),
        out_shape=jax.ShapeDtypeStruct((B,), jnp.float32),
        compiler_params=pltpu.CompilerParams(
            dimension_semantics=("arbitrary",),
            vmem_limit_bytes=16 * 1024 * 1024,
        ),
    )(fc_weight, fc_bias2, feature)


def _cmb_body(a_ref, b_ref, o_ref):
    o_ref[...] = (a_ref[...] + b_ref[...])[None, :]


def _tc_combine(a, b):
    return pl.pallas_call(
        _cmb_body,
        out_shape=jax.ShapeDtypeStruct((1, B), jnp.float32),
    )(a, b)


def kernel(feature, user_id, item_id, fc_weight, fc_bias, b_users, b_items):
    fc1d = _tc_matvec(fc_weight, fc_bias.reshape(1, 1), feature)
    bias1d = _sc_bias(user_id, item_id, b_users.T, b_items.T)
    return _tc_combine(fc1d, bias1d).T

# --- scband reference (transcript-rebuilt; emitter-appended) ---
"""Pipeline reference for scband-lfm-86517821211418 (READ-ONLY COPY).

The authoritative reference and input builder live on the scoring server;
editing this copy changes nothing except your own understanding.
"""

import jax, jax.numpy as jnp
import numpy as np

DIM = 64
USER_NUM = 1000000
ITEM_NUM = 100000
BATCH = 16384


def setup_inputs(seed: int = 0) -> dict:
    key = jax.random.key(seed)
    k_feat, k_uid, k_iid, k_w, k_b, k_bu, k_bi = jax.random.split(key, 7)
    feature = jax.random.normal(k_feat, (BATCH, DIM), dtype=jnp.float32)
    user_id = jax.random.randint(k_uid, (BATCH,), 0, USER_NUM, dtype=jnp.int64 if jax.config.jax_enable_x64 else jnp.int32)
    item_id = jax.random.randint(k_iid, (BATCH,), 0, ITEM_NUM, dtype=jnp.int64 if jax.config.jax_enable_x64 else jnp.int32)
    # nn.Linear(dim, 1): weight [1, dim], bias [1]
    fc_weight = jax.random.uniform(k_w, (1, DIM), dtype=jnp.float32, minval=-0.1, maxval=0.1)
    fc_bias = jax.random.uniform(k_b, (1,), dtype=jnp.float32, minval=0.5, maxval=1.5)
    b_users = jax.random.uniform(k_bu, (USER_NUM, 1), dtype=jnp.float32, minval=0.5, maxval=1.5)
    # b_items initialized with randn in __init__ (init_weight re-inits b_users twice, not b_items)
    b_items = jax.random.normal(k_bi, (ITEM_NUM, 1), dtype=jnp.float32)
    return {
        "feature": feature,
        "user_id": user_id,
        "item_id": item_id,
        "fc_weight": fc_weight,
        "fc_bias": fc_bias,
        "b_users": b_users,
        "b_items": b_items,
    }


def reference(feature, user_id, item_id, fc_weight, fc_bias, b_users, b_items):
    # fc(feature): [B, dim] @ [dim, 1] + [1] -> [B, 1]
    fc_out = feature @ fc_weight.T + fc_bias
    # bias table gathers (embedding lookups)
    user_bias = jnp.take(b_users, user_id, axis=0)  # [B, 1]
    item_bias = jnp.take(b_items, item_id, axis=0)  # [B, 1]
    return fc_out + user_bias + item_bias

if __name__ == "__main__":
    import jax
    _d = setup_inputs()
    print(jax.jit(kernel)(*tuple(_d.values())))

</pallas_src>

<mosaic_0001>
#map = affine_map<(d0, d1) -> (0)>
#map1 = affine_map<(d0, d1) -> (0, 0)>
module attributes {stable_mosaic.version = 14 : i64} {
  func.func @sc_bias(%arg0: i32, %arg1: i32, %arg2: memref<16384xi32, #tpu.memory_space<hbm>>, %arg3: memref<16384xi32, #tpu.memory_space<hbm>>, %arg4: memref<1x1000000xf32, #tpu.memory_space<hbm>>, %arg5: memref<1x100000xf32, #tpu.memory_space<hbm>>, %arg6: memref<16384xf32, #tpu.memory_space<hbm>>, %arg7: memref<512xi32, #tpu.memory_space<vmem>>, %arg8: memref<512xi32, #tpu.memory_space<vmem>>, %arg9: memref<512xf32, #tpu.memory_space<vmem>>, %arg10: memref<512xf32, #tpu.memory_space<vmem>>, %arg11: memref<!tpu.dma_semaphore, #tpu.memory_space<semaphore_mem>>, %arg12: memref<!tpu.dma_semaphore, #tpu.memory_space<semaphore_mem>>) attributes {dimension_semantics = [#tpu.dimension_semantics<core_parallel>, #tpu.dimension_semantics<subcore_parallel>], iteration_bounds = array<i64: 2, 16>, scalar_prefetch = 0 : i64, scratch_operands = 6 : i64, tpu.core_type = #tpu.core_type<sc_vector_subcore>, window_params = [{transform_indices = #map}, {transform_indices = #map}, {transform_indices = #map1}, {transform_indices = #map1}, {transform_indices = #map}]} {
    %mul3A = arith.constant 2 : i32
    %mul3A_0 = arith.muli %arg1, %mul3A : i32
    %add3A = arith.addi %mul3A_0, %arg0 : i32
    %mul3A_1 = arith.constant 512 : i32
    %mul3A_2 = arith.muli %add3A, %mul3A_1 : i32
    "tpu.region"() ({
      %run_scoped3A = tpu.sem_alloc : memref<!tpu.dma_semaphore, #tpu.memory_space<semaphore_mem>>
      %dma_start3A_375 = tpu.memref_slice %arg2[%mul3A_2] : memref<16384xi32, #tpu.memory_space<hbm>> -> memref<512xi32, #tpu.memory_space<hbm>>
      %dma_start3A_376 = tpu.memref_slice %arg2[%mul3A_2] : memref<16384xi32, #tpu.memory_space<hbm>> -> memref<512xi32, #tpu.memory_space<hbm>>
      tpu.enqueue_dma source(%dma_start3A_376 : memref<512xi32, #tpu.memory_space<hbm>>) target(%arg7 : memref<512xi32, #tpu.memory_space<vmem>>) target_semaphore(%run_scoped3A : memref<!tpu.dma_semaphore, #tpu.memory_space<semaphore_mem>>)
      %dma_wait3A_377 = tpu.memref_slice %arg2[%mul3A_2] : memref<16384xi32, #tpu.memory_space<hbm>> -> memref<512xi32, #tpu.memory_space<hbm>>
      %dma_wait3A_378 = tpu.memref_slice %arg2[%mul3A_2] : memref<16384xi32, #tpu.memory_space<hbm>> -> memref<512xi32, #tpu.memory_space<hbm>>
      tpu.wait_dma2 semaphore(%run_scoped3A : memref<!tpu.dma_semaphore, #tpu.memory_space<semaphore_mem>>) src(%dma_wait3A_378 : memref<512xi32, #tpu.memory_space<hbm>>) dst(%arg7 : memref<512xi32, #tpu.memory_space<vmem>>)
      tpu.yield
    }) : () -> ()
    "tpu.region"() ({
      %run_scoped3A = tpu.sem_alloc : memref<!tpu.dma_semaphore, #tpu.memory_space<semaphore_mem>>
      %dma_start3A_375 = tpu.memref_slice %arg3[%mul3A_2] : memref<16384xi32, #tpu.memory_space<hbm>> -> memref<512xi32, #tpu.memory_space<hbm>>
      %dma_start3A_376 = tpu.memref_slice %arg3[%mul3A_2] : memref<16384xi32, #tpu.memory_space<hbm>> -> memref<512xi32, #tpu.memory_space<hbm>>
      tpu.enqueue_dma source(%dma_start3A_376 : memref<512xi32, #tpu.memory_space<hbm>>) target(%arg8 : memref<512xi32, #tpu.memory_space<vmem>>) target_semaphore(%run_scoped3A : memref<!tpu.dma_semaphore, #tpu.memory_space<semaphore_mem>>)
      %dma_wait3A_377 = tpu.memref_slice %arg3[%mul3A_2] : memref<16384xi32, #tpu.memory_space<hbm>> -> memref<512xi32, #tpu.memory_space<hbm>>
      %dma_wait3A_378 = tpu.memref_slice %arg3[%mul3A_2] : memref<16384xi32, #tpu.memory_space<hbm>> -> memref<512xi32, #tpu.memory_space<hbm>>
      tpu.wait_dma2 semaphore(%run_scoped3A : memref<!tpu.dma_semaphore, #tpu.memory_space<semaphore_mem>>) src(%dma_wait3A_378 : memref<512xi32, #tpu.memory_space<hbm>>) dst(%arg8 : memref<512xi32, #tpu.memory_space<vmem>>)
      tpu.yield
    }) : () -> ()
    %dma_start3A = arith.constant 0 : i32
    %dma_start3A_3 = arith.constant 0 : i32
    %dma_start3A_4 = tpu.memref_slice %arg4[%dma_start3A, %dma_start3A_3] : memref<1x1000000xf32, #tpu.memory_space<hbm>> -> memref<1x1000000xf32, #tpu.memory_space<hbm>>
    %dma_start3A_5 = tpu.memref_squeeze %dma_start3A_4 : memref<1x1000000xf32, #tpu.memory_space<hbm>> -> memref<1000000xf32, #tpu.memory_space<hbm>>
    %dma_start3A_6 = arith.constant 0 : i32
    %dma_start3A_7 = tpu.memref_slice %dma_start3A_5[%dma_start3A_6] : memref<1000000xf32, #tpu.memory_space<hbm>> -> memref<1000000xf32, #tpu.memory_space<hbm>>
    tpu.enqueue_indirect_dma source(%dma_start3A_7 : memref<1000000xf32, #tpu.memory_space<hbm>>) target(%arg9 : memref<512xf32, #tpu.memory_space<vmem>>) offsets(%arg7 : memref<512xi32, #tpu.memory_space<vmem>>) semaphore(%arg11 : memref<!tpu.dma_semaphore, #tpu.memory_space<semaphore_mem>>)
    %dma_start3A_8 = arith.constant 0 : i32
    %dma_start3A_9 = arith.constant 0 : i32
    %dma_start3A_10 = tpu.memref_slice %arg5[%dma_start3A_8, %dma_start3A_9] : memref<1x100000xf32, #tpu.memory_space<hbm>> -> memref<1x100000xf32, #tpu.memory_space<hbm>>
    %dma_start3A_11 = tpu.memref_squeeze %dma_start3A_10 : memref<1x100000xf32, #tpu.memory_space<hbm>> -> memref<100000xf32, #tpu.memory_space<hbm>>
    %dma_start3A_12 = arith.constant 0 : i32
    %dma_start3A_13 = tpu.memref_slice %dma_start3A_11[%dma_start3A_12] : memref<100000xf32, #tpu.memory_space<hbm>> -> memref<100000xf32, #tpu.memory_space<hbm>>
    tpu.enqueue_indirect_dma source(%dma_start3A_13 : memref<100000xf32, #tpu.memory_space<hbm>>) target(%arg10 : memref<512xf32, #tpu.memory_space<vmem>>) offsets(%arg8 : memref<512xi32, #tpu.memory_space<vmem>>) semaphore(%arg12 : memref<!tpu.dma_semaphore, #tpu.memory_space<semaphore_mem>>)
    %dma_wait3A = arith.constant 0 : i32
    %dma_wait3A_14 = arith.constant 0 : i32
    %dma_wait3A_15 = tpu.memref_slice %arg4[%dma_wait3A, %dma_wait3A_14] : memref<1x1000000xf32, #tpu.memory_space<hbm>> -> memref<1x1000000xf32, #tpu.memory_space<hbm>>
    %dma_wait3A_16 = tpu.memref_squeeze %dma_wait3A_15 : memref<1x1000000xf32, #tpu.memory_space<hbm>> -> memref<1000000xf32, #tpu.memory_space<hbm>>
    %dma_wait3A_17 = arith.constant 0 : i32
    %dma_wait3A_18 = tpu.memref_slice %dma_wait3A_16[%dma_wait3A_17] : memref<1000000xf32, #tpu.memory_space<hbm>> -> memref<1000000xf32, #tpu.memory_space<hbm>>
    tpu.wait_indirect_dma semaphore(%arg11 : memref<!tpu.dma_semaphore, #tpu.memory_space<semaphore_mem>>) src(%dma_wait3A_18 : memref<1000000xf32, #tpu.memory_space<hbm>>) dst(%arg9 : memref<512xf32, #tpu.memory_space<vmem>>)
    %dma_wait3A_19 = arith.constant 0 : i32
    %dma_wait3A_20 = arith.constant 0 : i32
    %dma_wait3A_21 = tpu.memref_slice %arg5[%dma_wait3A_19, %dma_wait3A_20] : memref<1x100000xf32, #tpu.memory_space<hbm>> -> memref<1x100000xf32, #tpu.memory_space<hbm>>
    %dma_wait3A_22 = tpu.memref_squeeze %dma_wait3A_21 : memref<1x100000xf32, #tpu.memory_space<hbm>> -> memref<100000xf32, #tpu.memory_space<hbm>>
    %dma_wait3A_23 = arith.constant 0 : i32
    %dma_wait3A_24 = tpu.memref_slice %dma_wait3A_22[%dma_wait3A_23] : memref<100000xf32, #tpu.memory_space<hbm>> -> memref<100000xf32, #tpu.memory_space<hbm>>
    tpu.wait_indirect_dma semaphore(%arg12 : memref<!tpu.dma_semaphore, #tpu.memory_space<semaphore_mem>>) src(%dma_wait3A_24 : memref<100000xf32, #tpu.memory_space<hbm>>) dst(%arg10 : memref<512xf32, #tpu.memory_space<vmem>>)
    %get3A = arith.constant 0 : index
    %get3A_25 = tpu.vector_load %arg9[%get3A] {strides = array<i32>} : memref<512xf32, #tpu.memory_space<vmem>>, vector<16xf32>,
    %get3A_26 = vector.shape_cast %get3A_25 : vector<16xf32> to vector<16xf32>
    %get3A_27 = arith.constant 0 : index
    %get3A_28 = tpu.vector_load %arg10[%get3A_27] {strides = array<i32>} : memref<512xf32, #tpu.memory_space<vmem>>, vector<16xf32>,
    %get3A_29 = vector.shape_cast %get3A_28 : vector<16xf32> to vector<16xf32>
    %add3A_30 = arith.addf %get3A_26, %get3A_29 : vector<16xf32>
    %swap3A = arith.constant 0 : index
    %swap3A_31 = tpu.vector_load %arg9[%swap3A] {strides = array<i32>} : memref<512xf32, #tpu.memory_space<vmem>>, vector<16xf32>,
    %swap3A_32 = vector.shape_cast %swap3A_31 : vector<16xf32> to vector<16xf32>
    %swap3A_33 = vector.shape_cast %add3A_30 : vector<16xf32> to vector<16xf32>
    tpu.vector_store %arg9[%swap3A], %swap3A_33 {strides = array<i32>} : memref<512xf32, #tpu.memory_space<vmem>>, vector<16xf32>,
    %get3A_34 = arith.constant 16 : index
    %get3A_35 = tpu.vector_load %arg9[%get3A_34] {strides = array<i32>} : memref<512xf32, #tpu.memory_space<vmem>>, vector<16xf32>,
    %get3A_36 = vector.shape_cast %get3A_35 : vector<16xf32> to vector<16xf32>
    %get3A_37 = arith.constant 16 : index
    %get3A_38 = tpu.vector_load %arg10[%get3A_37] {strides = array<i32>} : memref<512xf32, #tpu.memory_space<vmem>>, vector<16xf32>,
    %get3A_39 = vector.shape_cast %get3A_38 : vector<16xf32> to vector<16xf32>
    %add3A_40 = arith.addf %get3A_36, %get3A_39 : vector<16xf32>
    %swap3A_41 = arith.constant 16 : index
    %swap3A_42 = tpu.vector_load %arg9[%swap3A_41] {strides = array<i32>} : memref<512xf32, #tpu.memory_space<vmem>>, vector<16xf32>,
    %swap3A_43 = vector.shape_cast %swap3A_42 : vector<16xf32> to vector<16xf32>
    %swap3A_44 = vector.shape_cast %add3A_40 : vector<16xf32> to vector<16xf32>
    tpu.vector_store %arg9[%swap3A_41], %swap3A_44 {strides = array<i32>} : memref<512xf32, #tpu.memory_space<vmem>>, vector<16xf32>,
    %get3A_45 = arith.constant 32 : index
    %get3A_46 = tpu.vector_load %arg9[%get3A_45] {strides = array<i32>} : memref<512xf32, #tpu.memory_space<vmem>>, vector<16xf32>,
    %get3A_47 = vector.shape_cast %get3A_46 : vector<16xf32> to vector<16xf32>
    %get3A_48 = arith.constant 32 : index
    %get3A_49 = tpu.vector_load %arg10[%get3A_48] {strides = array<i32>} : memref<512xf32, #tpu.memory_space<vmem>>, vector<16xf32>,
    %get3A_50 = vector.shape_cast %get3A_49 : vector<16xf32> to vector<16xf32>
    %add3A_51 = arith.addf %get3A_47, %get3A_50 : vector<16xf32>
    %swap3A_52 = arith.constant 32 : index
    %swap3A_53 = tpu.vector_load %arg9[%swap3A_52] {strides = array<i32>} : memref<512xf32, #tpu.memory_space<vmem>>, vector<16xf32>,
    %swap3A_54 = vector.shape_cast %swap3A_53 : vector<16xf32> to vector<16xf32>
    %swap3A_55 = vector.shape_cast %add3A_51 : vector<16xf32> to vector<16xf32>
    tpu.vector_store %arg9[%swap3A_52], %swap3A_55 {strides = array<i32>} : memref<512xf32, #tpu.memory_space<vmem>>, vector<16xf32>,
    %get3A_56 = arith.constant 48 : index
    %get3A_57 = tpu.vector_load %arg9[%get3A_56] {strides = array<i32>} : memref<512xf32, #tpu.memory_space<vmem>>, vector<16xf32>,
    %get3A_58 = vector.shape_cast %get3A_57 : vector<16xf32> to vector<16xf32>
    %get3A_59 = arith.constant 48 : index
    %get3A_60 = tpu.vector_load %arg10[%get3A_59] {strides = array<i32>} : memref<512xf32, #tpu.memory_space<vmem>>, vector<16xf32>,
    %get3A_61 = vector.shape_cast %get3A_60 : vector<16xf32> to vector<16xf32>
    %add3A_62 = arith.addf %get3A_58, %get3A_61 : vector<16xf32>
    %swap3A_63 = arith.constant 48 : index
    %swap3A_64 = tpu.vector_load %arg9[%swap3A_63] {strides = array<i32>} : memref<512xf32, #tpu.memory_space<vmem>>, vector<16xf32>,
    %swap3A_65 = vector.shape_cast %swap3A_64 : vector<16xf32> to vector<16xf32>
    %swap3A_66 = vector.shape_cast %add3A_62 : vector<16xf32> to vector<16xf32>
    tpu.vector_store %arg9[%swap3A_63], %swap3A_66 {strides = array<i32>} : memref<512xf32, #tpu.memory_space<vmem>>, vector<16xf32>,
    %get3A_67 = arith.constant 64 : index
    %get3A_68 = tpu.vector_load %arg9[%get3A_67] {strides = array<i32>} : memref<512xf32, #tpu.memory_space<vmem>>, vector<16xf32>,
    %get3A_69 = vector.shape_cast %get3A_68 : vector<16xf32> to vector<16xf32>
    %get3A_70 = arith.constant 64 : index
    %get3A_71 = tpu.vector_load %arg10[%get3A_70] {strides = array<i32>} : memref<512xf32, #tpu.memory_space<vmem>>, vector<16xf32>,
    %get3A_72 = vector.shape_cast %get3A_71 : vector<16xf32> to vector<16xf32>
    %add3A_73 = arith.addf %get3A_69, %get3A_72 : vector<16xf32>
    %swap3A_74 = arith.constant 64 : index
    %swap3A_75 = tpu.vector_load %arg9[%swap3A_74] {strides = array<i32>} : memref<512xf32, #tpu.memory_space<vmem>>, vector<16xf32>,
    %swap3A_76 = vector.shape_cast %swap3A_75 : vector<16xf32> to vector<16xf32>
    %swap3A_77 = vector.shape_cast %add3A_73 : vector<16xf32> to vector<16xf32>
    tpu.vector_store %arg9[%swap3A_74], %swap3A_77 {strides = array<i32>} : memref<512xf32, #tpu.memory_space<vmem>>, vector<16xf32>,
    %get3A_78 = arith.constant 80 : index
    %get3A_79 = tpu.vector_load %arg9[%get3A_78] {strides = array<i32>} : memref<512xf32, #tpu.memory_space<vmem>>, vector<16xf32>,
    %get3A_80 = vector.shape_cast %get3A_79 : vector<16xf32> to vector<16xf32>
    %get3A_81 = arith.constant 80 : index
    %get3A_82 = tpu.vector_load %arg10[%get3A_81] {strides = array<i32>} : memref<512xf32, #tpu.memory_space<vmem>>, vector<16xf32>,
    %get3A_83 = vector.shape_cast %get3A_82 : vector<16xf32> to vector<16xf32>
    %add3A_84 = arith.addf %get3A_80, %get3A_83 : vector<16xf32>
    %swap3A_85 = arith.constant 80 : index
    %swap3A_86 = tpu.vector_load %arg9[%swap3A_85] {strides = array<i32>} : memref<512xf32, #tpu.memory_space<vmem>>, vector<16xf32>,
    %swap3A_87 = vector.shape_cast %swap3A_86 : vector<16xf32> to vector<16xf32>
    %swap3A_88 = vector.shape_cast %add3A_84 : vector<16xf32> to vector<16xf32>
    tpu.vector_store %arg9[%swap3A_85], %swap3A_88 {strides = array<i32>} : memref<512xf32, #tpu.memory_space<vmem>>, vector<16xf32>,
    %get3A_89 = arith.constant 96 : index
    %get3A_90 = tpu.vector_load %arg9[%get3A_89] {strides = array<i32>} : memref<512xf32, #tpu.memory_space<vmem>>, vector<16xf32>,
    %get3A_91 = vector.shape_cast %get3A_90 : vector<16xf32> to vector<16xf32>
    %get3A_92 = arith.constant 96 : index
    %get3A_93 = tpu.vector_load %arg10[%get3A_92] {strides = array<i32>} : memref<512xf32, #tpu.memory_space<vmem>>, vector<16xf32>,
    %get3A_94 = vector.shape_cast %get3A_93 : vector<16xf32> to vector<16xf32>
    %add3A_95 = arith.addf %get3A_91, %get3A_94 : vector<16xf32>
    %swap3A_96 = arith.constant 96 : index
    %swap3A_97 = tpu.vector_load %arg9[%swap3A_96] {strides = array<i32>} : memref<512xf32, #tpu.memory_space<vmem>>, vector<16xf32>,
    %swap3A_98 = vector.shape_cast %swap3A_97 : vector<16xf32> to vector<16xf32>
    %swap3A_99 = vector.shape_cast %add3A_95 : vector<16xf32> to vector<16xf32>
    tpu.vector_store %arg9[%swap3A_96], %swap3A_99 {strides = array<i32>} : memref<512xf32, #tpu.memory_space<vmem>>, vector<16xf32>,
    %get3A_100 = arith.constant 112 : index
    %get3A_101 = tpu.vector_load %arg9[%get3A_100] {strides = array<i32>} : memref<512xf32, #tpu.memory_space<vmem>>, vector<16xf32>,
    %get3A_102 = vector.shape_cast %get3A_101 : vector<16xf32> to vector<16xf32>
    %get3A_103 = arith.constant 112 : index
    %get3A_104 = tpu.vector_load %arg10[%get3A_103] {strides = array<i32>} : memref<512xf32, #tpu.memory_space<vmem>>, vector<16xf32>,
    %get3A_105 = vector.shape_cast %get3A_104 : vector<16xf32> to vector<16xf32>
    %add3A_106 = arith.addf %get3A_102, %get3A_105 : vector<16xf32>
    %swap3A_107 = arith.constant 112 : index
    %swap3A_108 = tpu.vector_load %arg9[%swap3A_107] {strides = array<i32>} : memref<512xf32, #tpu.memory_space<vmem>>, vector<16xf32>,
    %swap3A_109 = vector.shape_cast %swap3A_108 : vector<16xf32> to vector<16xf32>
    %swap3A_110 = vector.shape_cast %add3A_106 : vector<16xf32> to vector<16xf32>
    tpu.vector_store %arg9[%swap3A_107], %swap3A_110 {strides = array<i32>} : memref<512xf32, #tpu.memory_space<vmem>>, vector<16xf32>,
    %get3A_111 = arith.constant 128 : index
    %get3A_112 = tpu.vector_load %arg9[%get3A_111] {strides = array<i32>} : memref<512xf32, #tpu.memory_space<vmem>>, vector<16xf32>,
    %get3A_113 = vector.shape_cast %get3A_112 : vector<16xf32> to vector<16xf32>
    %get3A_114 = arith.constant 128 : index
    %get3A_115 = tpu.vector_load %arg10[%get3A_114] {strides = array<i32>} : memref<512xf32, #tpu.memory_space<vmem>>, vector<16xf32>,
    %get3A_116 = vector.shape_cast %get3A_115 : vector<16xf32> to vector<16xf32>
    %add3A_117 = arith.addf %get3A_113, %get3A_116 : vector<16xf32>
    %swap3A_118 = arith.constant 128 : index
    %swap3A_119 = tpu.vector_load %arg9[%swap3A_118] {strides = array<i32>} : memref<512xf32, #tpu.memory_space<vmem>>, vector<16xf32>,
    %swap3A_120 = vector.shape_cast %swap3A_119 : vector<16xf32> to vector<16xf32>
    %swap3A_121 = vector.shape_cast %add3A_117 : vector<16xf32> to vector<16xf32>
    tpu.vector_store %arg9[%swap3A_118], %swap3A_121 {strides = array<i32>} : memref<512xf32, #tpu.memory_space<vmem>>, vector<16xf32>,
    %get3A_122 = arith.constant 144 : index
    %get3A_123 = tpu.vector_load %arg9[%get3A_122] {strides = array<i32>} : memref<512xf32, #tpu.memory_space<vmem>>, vector<16xf32>,
    %get3A_124 = vector.shape_cast %get3A_123 : vector<16xf32> to vector<16xf32>
    %get3A_125 = arith.constant 144 : index
    %get3A_126 = tpu.vector_load %arg10[%get3A_125] {strides = array<i32>} : memref<512xf32, #tpu.memory_space<vmem>>, vector<16xf32>,
    %get3A_127 = vector.shape_cast %get3A_126 : vector<16xf32> to vector<16xf32>
    %add3A_128 = arith.addf %get3A_124, %get3A_127 : vector<16xf32>
    %swap3A_129 = arith.constant 144 : index
    %swap3A_130 = tpu.vector_load %arg9[%swap3A_129] {strides = array<i32>} : memref<512xf32, #tpu.memory_space<vmem>>, vector<16xf32>,
    %swap3A_131 = vector.shape_cast %swap3A_130 : vector<16xf32> to vector<16xf32>
    %swap3A_132 = vector.shape_cast %add3A_128 : vector<16xf32> to vector<16xf32>
    tpu.vector_store %arg9[%swap3A_129], %swap3A_132 {strides = array<i32>} : memref<512xf32, #tpu.memory_space<vmem>>, vector<16xf32>,
    %get3A_133 = arith.constant 160 : index
    %get3A_134 = tpu.vector_load %arg9[%get3A_133] {strides = array<i32>} : memref<512xf32, #tpu.memory_space<vmem>>, vector<16xf32>,
    %get3A_135 = vector.shape_cast %get3A_134 : vector<16xf32> to vector<16xf32>
    %get3A_136 = arith.constant 160 : index
    %get3A_137 = tpu.vector_load %arg10[%get3A_136] {strides = array<i32>} : memref<512xf32, #tpu.memory_space<vmem>>, vector<16xf32>,
    %get3A_138 = vector.shape_cast %get3A_137 : vector<16xf32> to vector<16xf32>
    %add3A_139 = arith.addf %get3A_135, %get3A_138 : vector<16xf32>
    %swap3A_140 = arith.constant 160 : index
    %swap3A_141 = tpu.vector_load %arg9[%swap3A_140] {strides = array<i32>} : memref<512xf32, #tpu.memory_space<vmem>>, vector<16xf32>,
    %swap3A_142 = vector.shape_cast %swap3A_141 : vector<16xf32> to vector<16xf32>
    %swap3A_143 = vector.shape_cast %add3A_139 : vector<16xf32> to vector<16xf32>
    tpu.vector_store %arg9[%swap3A_140], %swap3A_143 {strides = array<i32>} : memref<512xf32, #tpu.memory_space<vmem>>, vector<16xf32>,
    %get3A_144 = arith.constant 176 : index
    %get3A_145 = tpu.vector_load %arg9[%get3A_144] {strides = array<i32>} : memref<512xf32, #tpu.memory_space<vmem>>, vector<16xf32>,
    %get3A_146 = vector.shape_cast %get3A_145 : vector<16xf32> to vector<16xf32>
    %get3A_147 = arith.constant 176 : index
    %get3A_148 = tpu.vector_load %arg10[%get3A_147] {strides = array<i32>} : memref<512xf32, #tpu.memory_space<vmem>>, vector<16xf32>,
    %get3A_149 = vector.shape_cast %get3A_148 : vector<16xf32> to vector<16xf32>
    %add3A_150 = arith.addf %get3A_146, %get3A_149 : vector<16xf32>
    %swap3A_151 = arith.constant 176 : index
    %swap3A_152 = tpu.vector_load %arg9[%swap3A_151] {strides = array<i32>} : memref<512xf32, #tpu.memory_space<vmem>>, vector<16xf32>,
    %swap3A_153 = vector.shape_cast %swap3A_152 : vector<16xf32> to vector<16xf32>
    %swap3A_154 = vector.shape_cast %add3A_150 : vector<16xf32> to vector<16xf32>
    tpu.vector_store %arg9[%swap3A_151], %swap3A_154 {strides = array<i32>} : memref<512xf32, #tpu.memory_space<vmem>>, vector<16xf32>,
    %get3A_155 = arith.constant 192 : index
    %get3A_156 = tpu.vector_load %arg9[%get3A_155] {strides = array<i32>} : memref<512xf32, #tpu.memory_space<vmem>>, vector<16xf32>,
    %get3A_157 = vector.shape_cast %get3A_156 : vector<16xf32> to vector<16xf32>
    %get3A_158 = arith.constant 192 : index
    %get3A_159 = tpu.vector_load %arg10[%get3A_158] {strides = array<i32>} : memref<512xf32, #tpu.memory_space<vmem>>, vector<16xf32>,
    %get3A_160 = vector.shape_cast %get3A_159 : vector<16xf32> to vector<16xf32>
    %add3A_161 = arith.addf %get3A_157, %get3A_160 : vector<16xf32>
    %swap3A_162 = arith.constant 192 : index
    %swap3A_163 = tpu.vector_load %arg9[%swap3A_162] {strides = array<i32>} : memref<512xf32, #tpu.memory_space<vmem>>, vector<16xf32>,
    %swap3A_164 = vector.shape_cast %swap3A_163 : vector<16xf32> to vector<16xf32>
    %swap3A_165 = vector.shape_cast %add3A_161 : vector<16xf32> to vector<16xf32>
    tpu.vector_store %arg9[%swap3A_162], %swap3A_165 {strides = array<i32>} : memref<512xf32, #tpu.memory_space<vmem>>, vector<16xf32>,
    %get3A_166 = arith.constant 208 : index
    %get3A_167 = tpu.vector_load %arg9[%get3A_166] {strides = array<i32>} : memref<512xf32, #tpu.memory_space<vmem>>, vector<16xf32>,
    %get3A_168 = vector.shape_cast %get3A_167 : vector<16xf32> to vector<16xf32>
    %get3A_169 = arith.constant 208 : index
    %get3A_170 = tpu.vector_load %arg10[%get3A_169] {strides = array<i32>} : memref<512xf32, #tpu.memory_space<vmem>>, vector<16xf32>,
    %get3A_171 = vector.shape_cast %get3A_170 : vector<16xf32> to vector<16xf32>
    %add3A_172 = arith.addf %get3A_168, %get3A_171 : vector<16xf32>
    %swap3A_173 = arith.constant 208 : index
    %swap3A_174 = tpu.vector_load %arg9[%swap3A_173] {strides = array<i32>} : memref<512xf32, #tpu.memory_space<vmem>>, vector<16xf32>,
    %swap3A_175 = vector.shape_cast %swap3A_174 : vector<16xf32> to vector<16xf32>
    %swap3A_176 = vector.shape_cast %add3A_172 : vector<16xf32> to vector<16xf32>
    tpu.vector_store %arg9[%swap3A_173], %swap3A_176 {strides = array<i32>} : memref<512xf32, #tpu.memory_space<vmem>>, vector<16xf32>,
    %get3A_177 = arith.constant 224 : index
    %get3A_178 = tpu.vector_load %arg9[%get3A_177] {strides = array<i32>} : memref<512xf32, #tpu.memory_space<vmem>>, vector<16xf32>,
    %get3A_179 = vector.shape_cast %get3A_178 : vector<16xf32> to vector<16xf32>
    %get3A_180 = arith.constant 224 : index
    %get3A_181 = tpu.vector_load %arg10[%get3A_180] {strides = array<i32>} : memref<512xf32, #tpu.memory_space<vmem>>, vector<16xf32>,
    %get3A_182 = vector.shape_cast %get3A_181 : vector<16xf32> to vector<16xf32>
    %add3A_183 = arith.addf %get3A_179, %get3A_182 : vector<16xf32>
    %swap3A_184 = arith.constant 224 : index
    %swap3A_185 = tpu.vector_load %arg9[%swap3A_184] {strides = array<i32>} : memref<512xf32, #tpu.memory_space<vmem>>, vector<16xf32>,
    %swap3A_186 = vector.shape_cast %swap3A_185 : vector<16xf32> to vector<16xf32>
    %swap3A_187 = vector.shape_cast %add3A_183 : vector<16xf32> to vector<16xf32>
    tpu.vector_store %arg9[%swap3A_184], %swap3A_187 {strides = array<i32>} : memref<512xf32, #tpu.memory_space<vmem>>, vector<16xf32>,
    %get3A_188 = arith.constant 240 : index
    %get3A_189 = tpu.vector_load %arg9[%get3A_188] {strides = array<i32>} : memref<512xf32, #tpu.memory_space<vmem>>, vector<16xf32>,
    %get3A_190 = vector.shape_cast %get3A_189 : vector<16xf32> to vector<16xf32>
    %get3A_191 = arith.constant 240 : index
    %get3A_192 = tpu.vector_load %arg10[%get3A_191] {strides = array<i32>} : memref<512xf32, #tpu.memory_space<vmem>>, vector<16xf32>,
    %get3A_193 = vector.shape_cast %get3A_192 : vector<16xf32> to vector<16xf32>
    %add3A_194 = arith.addf %get3A_190, %get3A_193 : vector<16xf32>
    %swap3A_195 = arith.constant 240 : index
    %swap3A_196 = tpu.vector_load %arg9[%swap3A_195] {strides = array<i32>} : memref<512xf32, #tpu.memory_space<vmem>>, vector<16xf32>,
    %swap3A_197 = vector.shape_cast %swap3A_196 : vector<16xf32> to vector<16xf32>
    %swap3A_198 = vector.shape_cast %add3A_194 : vector<16xf32> to vector<16xf32>
    tpu.vector_store %arg9[%swap3A_195], %swap3A_198 {strides = array<i32>} : memref<512xf32, #tpu.memory_space<vmem>>, vector<16xf32>,
    %get3A_199 = arith.constant 256 : index
    %get3A_200 = tpu.vector_load %arg9[%get3A_199] {strides = array<i32>} : memref<512xf32, #tpu.memory_space<vmem>>, vector<16xf32>,
    %get3A_201 = vector.shape_cast %get3A_200 : vector<16xf32> to vector<16xf32>
    %get3A_202 = arith.constant 256 : index
    %get3A_203 = tpu.vector_load %arg10[%get3A_202] {strides = array<i32>} : memref<512xf32, #tpu.memory_space<vmem>>, vector<16xf32>,
    %get3A_204 = vector.shape_cast %get3A_203 : vector<16xf32> to vector<16xf32>
    %add3A_205 = arith.addf %get3A_201, %get3A_204 : vector<16xf32>
    %swap3A_206 = arith.constant 256 : index
    %swap3A_207 = tpu.vector_load %arg9[%swap3A_206] {strides = array<i32>} : memref<512xf32, #tpu.memory_space<vmem>>, vector<16xf32>,
    %swap3A_208 = vector.shape_cast %swap3A_207 : vector<16xf32> to vector<16xf32>
    %swap3A_209 = vector.shape_cast %add3A_205 : vector<16xf32> to vector<16xf32>
    tpu.vector_store %arg9[%swap3A_206], %swap3A_209 {strides = array<i32>} : memref<512xf32, #tpu.memory_space<vmem>>, vector<16xf32>,
    %get3A_210 = arith.constant 272 : index
    %get3A_211 = tpu.vector_load %arg9[%get3A_210] {strides = array<i32>} : memref<512xf32, #tpu.memory_space<vmem>>, vector<16xf32>,
    %get3A_212 = vector.shape_cast %get3A_211 : vector<16xf32> to vector<16xf32>
    %get3A_213 = arith.constant 272 : index
    %get3A_214 = tpu.vector_load %arg10[%get3A_213] {strides = array<i32>} : memref<512xf32, #tpu.memory_space<vmem>>, vector<16xf32>,
    %get3A_215 = vector.shape_cast %get3A_214 : vector<16xf32> to vector<16xf32>
    %add3A_216 = arith.addf %get3A_212, %get3A_215 : vector<16xf32>
    %swap3A_217 = arith.constant 272 : index
    %swap3A_218 = tpu.vector_load %arg9[%swap3A_217] {strides = array<i32>} : memref<512xf32, #tpu.memory_space<vmem>>, vector<16xf32>,
    %swap3A_219 = vector.shape_cast %swap3A_218 : vector<16xf32> to vector<16xf32>
    %swap3A_220 = vector.shape_cast %add3A_216 : vector<16xf32> to vector<16xf32>
    tpu.vector_store %arg9[%swap3A_217], %swap3A_220 {strides = array<i32>} : memref<512xf32, #tpu.memory_space<vmem>>, vector<16xf32>,
    %get3A_221 = arith.constant 288 : index
    %get3A_222 = tpu.vector_load %arg9[%get3A_221] {strides = array<i32>} : memref<512xf32, #tpu.memory_space<vmem>>, vector<16xf32>,
    %get3A_223 = vector.shape_cast %get3A_222 : vector<16xf32> to vector<16xf32>
    %get3A_224 = arith.constant 288 : index
    %get3A_225 = tpu.vector_load %arg10[%get3A_224] {strides = array<i32>} : memref<512xf32, #tpu.memory_space<vmem>>, vector<16xf32>,
    %get3A_226 = vector.shape_cast %get3A_225 : vector<16xf32> to vector<16xf32>
    %add3A_227 = arith.addf %get3A_223, %get3A_226 : vector<16xf32>
    %swap3A_228 = arith.constant 288 : index
    %swap3A_229 = tpu.vector_load %arg9[%swap3A_228] {strides = array<i32>} : memref<512xf32, #tpu.memory_space<vmem>>, vector<16xf32>,
    %swap3A_230 = vector.shape_cast %swap3A_229 : vector<16xf32> to vector<16xf32>
    %swap3A_231 = vector.shape_cast %add3A_227 : vector<16xf32> to vector<16xf32>
    tpu.vector_store %arg9[%swap3A_228], %swap3A_231 {strides = array<i32>} : memref<512xf32, #tpu.memory_space<vmem>>, vector<16xf32>,
    %get3A_232 = arith.constant 304 : index
    %get3A_233 = tpu.vector_load %arg9[%get3A_232] {strides = array<i32>} : memref<512xf32, #tpu.memory_space<vmem>>, vector<16xf32>,
    %get3A_234 = vector.shape_cast %get3A_233 : vector<16xf32> to vector<16xf32>
    %get3A_235 = arith.constant 304 : index
    %get3A_236 = tpu.vector_load %arg10[%get3A_235] {strides = array<i32>} : memref<512xf32, #tpu.memory_space<vmem>>, vector<16xf32>,
    %get3A_237 = vector.shape_cast %get3A_236 : vector<16xf32> to vector<16xf32>
    %add3A_238 = arith.addf %get3A_234, %get3A_237 : vector<16xf32>
    %swap3A_239 = arith.constant 304 : index
    %swap3A_240 = tpu.vector_load %arg9[%swap3A_239] {strides = array<i32>} : memref<512xf32, #tpu.memory_space<vmem>>, vector<16xf32>,
    %swap3A_241 = vector.shape_cast %swap3A_240 : vector<16xf32> to vector<16xf32>
    %swap3A_242 = vector.shape_cast %add3A_238 : vector<16xf32> to vector<16xf32>
    tpu.vector_store %arg9[%swap3A_239], %swap3A_242 {strides = array<i32>} : memref<512xf32, #tpu.memory_space<vmem>>, vector<16xf32>,
    %get3A_243 = arith.constant 320 : index
    %get3A_244 = tpu.vector_load %arg9[%get3A_243] {strides = array<i32>} : memref<512xf32, #tpu.memory_space<vmem>>, vector<16xf32>,
    %get3A_245 = vector.shape_cast %get3A_244 : vector<16xf32> to vector<16xf32>
    %get3A_246 = arith.constant 320 : index
    %get3A_247 = tpu.vector_load %arg10[%get3A_246] {strides = array<i32>} : memref<512xf32, #tpu.memory_space<vmem>>, vector<16xf32>,
    %get3A_248 = vector.shape_cast %get3A_247 : vector<16xf32> to vector<16xf32>
    %add3A_249 = arith.addf %get3A_245, %get3A_248 : vector<16xf32>
    %swap3A_250 = arith.constant 320 : index
    %swap3A_251 = tpu.vector_load %arg9[%swap3A_250] {strides = array<i32>} : memref<512xf32, #tpu.memory_space<vmem>>, vector<16xf32>,
    %swap3A_252 = vector.shape_cast %swap3A_251 : vector<16xf32> to vector<16xf32>
    %swap3A_253 = vector.shape_cast %add3A_249 : vector<16xf32> to vector<16xf32>
    tpu.vector_store %arg9[%swap3A_250], %swap3A_253 {strides = array<i32>} : memref<512xf32, #tpu.memory_space<vmem>>, vector<16xf32>,
    %get3A_254 = arith.constant 336 : index
    %get3A_255 = tpu.vector_load %arg9[%get3A_254] {strides = array<i32>} : memref<512xf32, #tpu.memory_space<vmem>>, vector<16xf32>,
    %get3A_256 = vector.shape_cast %get3A_255 : vector<16xf32> to vector<16xf32>
    %get3A_257 = arith.constant 336 : index
    %get3A_258 = tpu.vector_load %arg10[%get3A_257] {strides = array<i32>} : memref<512xf32, #tpu.memory_space<vmem>>, vector<16xf32>,
    %get3A_259 = vector.shape_cast %get3A_258 : vector<16xf32> to vector<16xf32>
    %add3A_260 = arith.addf %get3A_256, %get3A_259 : vector<16xf32>
    %swap3A_261 = arith.constant 336 : index
    %swap3A_262 = tpu.vector_load %arg9[%swap3A_261] {strides = array<i32>} : memref<512xf32, #tpu.memory_space<vmem>>, vector<16xf32>,
    %swap3A_263 = vector.shape_cast %swap3A_262 : vector<16xf32> to vector<16xf32>
    %swap3A_264 = vector.shape_cast %add3A_260 : vector<16xf32> to vector<16xf32>
    tpu.vector_store %arg9[%swap3A_261], %swap3A_264 {strides = array<i32>} : memref<512xf32, #tpu.memory_space<vmem>>, vector<16xf32>,
    %get3A_265 = arith.constant 352 : index
    %get3A_266 = tpu.vector_load %arg9[%get3A_265] {strides = array<i32>} : memref<512xf32, #tpu.memory_space<vmem>>, vector<16xf32>,
    %get3A_267 = vector.shape_cast %get3A_266 : vector<16xf32> to vector<16xf32>
    %get3A_268 = arith.constant 352 : index
    %get3A_269 = tpu.vector_load %arg10[%get3A_268] {strides = array<i32>} : memref<512xf32, #tpu.memory_space<vmem>>, vector<16xf32>,
    %get3A_270 = vector.shape_cast %get3A_269 : vector<16xf32> to vector<16xf32>
    %add3A_271 = arith.addf %get3A_267, %get3A_270 : vector<16xf32>
    %swap3A_272 = arith.constant 352 : index
    %swap3A_273 = tpu.vector_load %arg9[%swap3A_272] {strides = array<i32>} : memref<512xf32, #tpu.memory_space<vmem>>, vector<16xf32>,
    %swap3A_274 = vector.shape_cast %swap3A_273 : vector<16xf32> to vector<16xf32>
    %swap3A_275 = vector.shape_cast %add3A_271 : vector<16xf32> to vector<16xf32>
    tpu.vector_store %arg9[%swap3A_272], %swap3A_275 {strides = array<i32>} : memref<512xf32, #tpu.memory_space<vmem>>, vector<16xf32>,
    %get3A_276 = arith.constant 368 : index
    %get3A_277 = tpu.vector_load %arg9[%get3A_276] {strides = array<i32>} : memref<512xf32, #tpu.memory_space<vmem>>, vector<16xf32>,
    %get3A_278 = vector.shape_cast %get3A_277 : vector<16xf32> to vector<16xf32>
    %get3A_279 = arith.constant 368 : index
    %get3A_280 = tpu.vector_load %arg10[%get3A_279] {strides = array<i32>} : memref<512xf32, #tpu.memory_space<vmem>>, vector<16xf32>,
    %get3A_281 = vector.shape_cast %get3A_280 : vector<16xf32> to vector<16xf32>
    %add3A_282 = arith.addf %get3A_278, %get3A_281 : vector<16xf32>
    %swap3A_283 = arith.constant 368 : index
    %swap3A_284 = tpu.vector_load %arg9[%swap3A_283] {strides = array<i32>} : memref<512xf32, #tpu.memory_space<vmem>>, vector<16xf32>,
    %swap3A_285 = vector.shape_cast %swap3A_284 : vector<16xf32> to vector<16xf32>
    %swap3A_286 = vector.shape_cast %add3A_282 : vector<16xf32> to vector<16xf32>
    tpu.vector_store %arg9[%swap3A_283], %swap3A_286 {strides = array<i32>} : memref<512xf32, #tpu.memory_space<vmem>>, vector<16xf32>,
    %get3A_287 = arith.constant 384 : index
    %get3A_288 = tpu.vector_load %arg9[%get3A_287] {strides = array<i32>} : memref<512xf32, #tpu.memory_space<vmem>>, vector<16xf32>,
    %get3A_289 = vector.shape_cast %get3A_288 : vector<16xf32> to vector<16xf32>
    %get3A_290 = arith.constant 384 : index
    %get3A_291 = tpu.vector_load %arg10[%get3A_290] {strides = array<i32>} : memref<512xf32, #tpu.memory_space<vmem>>, vector<16xf32>,
    %get3A_292 = vector.shape_cast %get3A_291 : vector<16xf32> to vector<16xf32>
    %add3A_293 = arith.addf %get3A_289, %get3A_292 : vector<16xf32>
    %swap3A_294 = arith.constant 384 : index
    %swap3A_295 = tpu.vector_load %arg9[%swap3A_294] {strides = array<i32>} : memref<512xf32, #tpu.memory_space<vmem>>, vector<16xf32>,
    %swap3A_296 = vector.shape_cast %swap3A_295 : vector<16xf32> to vector<16xf32>
    %swap3A_297 = vector.shape_cast %add3A_293 : vector<16xf32> to vector<16xf32>
    tpu.vector_store %arg9[%swap3A_294], %swap3A_297 {strides = array<i32>} : memref<512xf32, #tpu.memory_space<vmem>>, vector<16xf32>,
    %get3A_298 = arith.constant 400 : index
    %get3A_299 = tpu.vector_load %arg9[%get3A_298] {strides = array<i32>} : memref<512xf32, #tpu.memory_space<vmem>>, vector<16xf32>,
    %get3A_300 = vector.shape_cast %get3A_299 : vector<16xf32> to vector<16xf32>
    %get3A_301 = arith.constant 400 : index
    %get3A_302 = tpu.vector_load %arg10[%get3A_301] {strides = array<i32>} : memref<512xf32, #tpu.memory_space<vmem>>, vector<16xf32>,
    %get3A_303 = vector.shape_cast %get3A_302 : vector<16xf32> to vector<16xf32>
    %add3A_304 = arith.addf %get3A_300, %get3A_303 : vector<16xf32>
    %swap3A_305 = arith.constant 400 : index
    %swap3A_306 = tpu.vector_load %arg9[%swap3A_305] {strides = array<i32>} : memref<512xf32, #tpu.memory_space<vmem>>, vector<16xf32>,
    %swap3A_307 = vector.shape_cast %swap3A_306 : vector<16xf32> to vector<16xf32>
    %swap3A_308 = vector.shape_cast %add3A_304 : vector<16xf32> to vector<16xf32>
    tpu.vector_store %arg9[%swap3A_305], %swap3A_308 {strides = array<i32>} : memref<512xf32, #tpu.memory_space<vmem>>, vector<16xf32>,
    %get3A_309 = arith.constant 416 : index
    %get3A_310 = tpu.vector_load %arg9[%get3A_309] {strides = array<i32>} : memref<512xf32, #tpu.memory_space<vmem>>, vector<16xf32>,
    %get3A_311 = vector.shape_cast %get3A_310 : vector<16xf32> to vector<16xf32>
    %get3A_312 = arith.constant 416 : index
    %get3A_313 = tpu.vector_load %arg10[%get3A_312] {strides = array<i32>} : memref<512xf32, #tpu.memory_space<vmem>>, vector<16xf32>,
    %get3A_314 = vector.shape_cast %get3A_313 : vector<16xf32> to vector<16xf32>
    %add3A_315 = arith.addf %get3A_311, %get3A_314 : vector<16xf32>
    %swap3A_316 = arith.constant 416 : index
    %swap3A_317 = tpu.vector_load %arg9[%swap3A_316] {strides = array<i32>} : memref<512xf32, #tpu.memory_space<vmem>>, vector<16xf32>,
    %swap3A_318 = vector.shape_cast %swap3A_317 : vector<16xf32> to vector<16xf32>
    %swap3A_319 = vector.shape_cast %add3A_315 : vector<16xf32> to vector<16xf32>
    tpu.vector_store %arg9[%swap3A_316], %swap3A_319 {strides = array<i32>} : memref<512xf32, #tpu.memory_space<vmem>>, vector<16xf32>,
    %get3A_320 = arith.constant 432 : index
    %get3A_321 = tpu.vector_load %arg9[%get3A_320] {strides = array<i32>} : memref<512xf32, #tpu.memory_space<vmem>>, vector<16xf32>,
    %get3A_322 = vector.shape_cast %get3A_321 : vector<16xf32> to vector<16xf32>
    %get3A_323 = arith.constant 432 : index
    %get3A_324 = tpu.vector_load %arg10[%get3A_323] {strides = array<i32>} : memref<512xf32, #tpu.memory_space<vmem>>, vector<16xf32>,
    %get3A_325 = vector.shape_cast %get3A_324 : vector<16xf32> to vector<16xf32>
    %add3A_326 = arith.addf %get3A_322, %get3A_325 : vector<16xf32>
    %swap3A_327 = arith.constant 432 : index
    %swap3A_328 = tpu.vector_load %arg9[%swap3A_327] {strides = array<i32>} : memref<512xf32, #tpu.memory_space<vmem>>, vector<16xf32>,
    %swap3A_329 = vector.shape_cast %swap3A_328 : vector<16xf32> to vector<16xf32>
    %swap3A_330 = vector.shape_cast %add3A_326 : vector<16xf32> to vector<16xf32>
    tpu.vector_store %arg9[%swap3A_327], %swap3A_330 {strides = array<i32>} : memref<512xf32, #tpu.memory_space<vmem>>, vector<16xf32>,
    %get3A_331 = arith.constant 448 : index
    %get3A_332 = tpu.vector_load %arg9[%get3A_331] {strides = array<i32>} : memref<512xf32, #tpu.memory_space<vmem>>, vector<16xf32>,
    %get3A_333 = vector.shape_cast %get3A_332 : vector<16xf32> to vector<16xf32>
    %get3A_334 = arith.constant 448 : index
    %get3A_335 = tpu.vector_load %arg10[%get3A_334] {strides = array<i32>} : memref<512xf32, #tpu.memory_space<vmem>>, vector<16xf32>,
    %get3A_336 = vector.shape_cast %get3A_335 : vector<16xf32> to vector<16xf32>
    %add3A_337 = arith.addf %get3A_333, %get3A_336 : vector<16xf32>
    %swap3A_338 = arith.constant 448 : index
    %swap3A_339 = tpu.vector_load %arg9[%swap3A_338] {strides = array<i32>} : memref<512xf32, #tpu.memory_space<vmem>>, vector<16xf32>,
    %swap3A_340 = vector.shape_cast %swap3A_339 : vector<16xf32> to vector<16xf32>
    %swap3A_341 = vector.shape_cast %add3A_337 : vector<16xf32> to vector<16xf32>
    tpu.vector_store %arg9[%swap3A_338], %swap3A_341 {strides = array<i32>} : memref<512xf32, #tpu.memory_space<vmem>>, vector<16xf32>,
    %get3A_342 = arith.constant 464 : index
    %get3A_343 = tpu.vector_load %arg9[%get3A_342] {strides = array<i32>} : memref<512xf32, #tpu.memory_space<vmem>>, vector<16xf32>,
    %get3A_344 = vector.shape_cast %get3A_343 : vector<16xf32> to vector<16xf32>
    %get3A_345 = arith.constant 464 : index
    %get3A_346 = tpu.vector_load %arg10[%get3A_345] {strides = array<i32>} : memref<512xf32, #tpu.memory_space<vmem>>, vector<16xf32>,
    %get3A_347 = vector.shape_cast %get3A_346 : vector<16xf32> to vector<16xf32>
    %add3A_348 = arith.addf %get3A_344, %get3A_347 : vector<16xf32>
    %swap3A_349 = arith.constant 464 : index
    %swap3A_350 = tpu.vector_load %arg9[%swap3A_349] {strides = array<i32>} : memref<512xf32, #tpu.memory_space<vmem>>, vector<16xf32>,
    %swap3A_351 = vector.shape_cast %swap3A_350 : vector<16xf32> to vector<16xf32>
    %swap3A_352 = vector.shape_cast %add3A_348 : vector<16xf32> to vector<16xf32>
    tpu.vector_store %arg9[%swap3A_349], %swap3A_352 {strides = array<i32>} : memref<512xf32, #tpu.memory_space<vmem>>, vector<16xf32>,
    %get3A_353 = arith.constant 480 : index
    %get3A_354 = tpu.vector_load %arg9[%get3A_353] {strides = array<i32>} : memref<512xf32, #tpu.memory_space<vmem>>, vector<16xf32>,
    %get3A_355 = vector.shape_cast %get3A_354 : vector<16xf32> to vector<16xf32>
    %get3A_356 = arith.constant 480 : index
    %get3A_357 = tpu.vector_load %arg10[%get3A_356] {strides = array<i32>} : memref<512xf32, #tpu.memory_space<vmem>>, vector<16xf32>,
    %get3A_358 = vector.shape_cast %get3A_357 : vector<16xf32> to vector<16xf32>
    %add3A_359 = arith.addf %get3A_355, %get3A_358 : vector<16xf32>
    %swap3A_360 = arith.constant 480 : index
    %swap3A_361 = tpu.vector_load %arg9[%swap3A_360] {strides = array<i32>} : memref<512xf32, #tpu.memory_space<vmem>>, vector<16xf32>,
    %swap3A_362 = vector.shape_cast %swap3A_361 : vector<16xf32> to vector<16xf32>
    %swap3A_363 = vector.shape_cast %add3A_359 : vector<16xf32> to vector<16xf32>
    tpu.vector_store %arg9[%swap3A_360], %swap3A_363 {strides = array<i32>} : memref<512xf32, #tpu.memory_space<vmem>>, vector<16xf32>,
    %get3A_364 = arith.constant 496 : index
    %get3A_365 = tpu.vector_load %arg9[%get3A_364] {strides = array<i32>} : memref<512xf32, #tpu.memory_space<vmem>>, vector<16xf32>,
    %get3A_366 = vector.shape_cast %get3A_365 : vector<16xf32> to vector<16xf32>
    %get3A_367 = arith.constant 496 : index
    %get3A_368 = tpu.vector_load %arg10[%get3A_367] {strides = array<i32>} : memref<512xf32, #tpu.memory_space<vmem>>, vector<16xf32>,
    %get3A_369 = vector.shape_cast %get3A_368 : vector<16xf32> to vector<16xf32>
    %add3A_370 = arith.addf %get3A_366, %get3A_369 : vector<16xf32>
    %swap3A_371 = arith.constant 496 : index
    %swap3A_372 = tpu.vector_load %arg9[%swap3A_371] {strides = array<i32>} : memref<512xf32, #tpu.memory_space<vmem>>, vector<16xf32>,
    %swap3A_373 = vector.shape_cast %swap3A_372 : vector<16xf32> to vector<16xf32>
    %swap3A_374 = vector.shape_cast %add3A_370 : vector<16xf32> to vector<16xf32>
    tpu.vector_store %arg9[%swap3A_371], %swap3A_374 {strides = array<i32>} : memref<512xf32, #tpu.memory_space<vmem>>, vector<16xf32>,
    "tpu.region"() ({
      %run_scoped3A = tpu.sem_alloc : memref<!tpu.dma_semaphore, #tpu.memory_space<semaphore_mem>>
      %dma_start3A_375 = tpu.memref_slice %arg6[%mul3A_2] : memref<16384xf32, #tpu.memory_space<hbm>> -> memref<512xf32, #tpu.memory_space<hbm>>
      %dma_start3A_376 = tpu.memref_slice %arg6[%mul3A_2] : memref<16384xf32, #tpu.memory_space<hbm>> -> memref<512xf32, #tpu.memory_space<hbm>>
      tpu.enqueue_dma source(%arg9 : memref<512xf32, #tpu.memory_space<vmem>>) target(%dma_start3A_376 : memref<512xf32, #tpu.memory_space<hbm>>) target_semaphore(%run_scoped3A : memref<!tpu.dma_semaphore, #tpu.memory_space<semaphore_mem>>)
      %dma_wait3A_377 = tpu.memref_slice %arg6[%mul3A_2] : memref<16384xf32, #tpu.memory_space<hbm>> -> memref<512xf32, #tpu.memory_space<hbm>>
      %dma_wait3A_378 = tpu.memref_slice %arg6[%mul3A_2] : memref<16384xf32, #tpu.memory_space<hbm>> -> memref<512xf32, #tpu.memory_space<hbm>>
      tpu.wait_dma2 semaphore(%run_scoped3A : memref<!tpu.dma_semaphore, #tpu.memory_space<semaphore_mem>>) src(%arg9 : memref<512xf32, #tpu.memory_space<vmem>>) dst(%dma_wait3A_378 : memref<512xf32, #tpu.memory_space<hbm>>)
      tpu.yield
    }) : () -> ()
    return
  }
}

module attributes {stable_mosaic.version = 14 : i64} {
  func.func @_tc_body(%arg0: i32, %arg1: memref<1x64xf32, #tpu.memory_space<vmem>>, %arg2: memref<1x1xf32, #tpu.memory_space<vmem>>, %arg3: memref<16384x64xf32, #tpu.memory_space<vmem>>, %arg4: memref<16384xf32, #tpu.memory_space<vmem>>) attributes {dimension_semantics = [#tpu.dimension_semantics<arbitrary>], iteration_bounds = array<i64: 1>, scalar_prefetch = 0 : i64, scratch_operands = 0 : i64, tpu.core_type = #tpu.core_type<tc>, window_params = [{pipeline_mode = #tpu.pipeline_mode<synchronous>, transform_indices = @transform_0, window_bounds = array<i64: 1, 64>}, {pipeline_mode = #tpu.pipeline_mode<synchronous>, transform_indices = @transform_1, window_bounds = array<i64: 1, 1>}, {transform_indices = @transform_2, window_bounds = array<i64: 16384, 64>}, {transform_indices = @transform_3, window_bounds = array<i64: 16384>}]} {
    %get3A = arith.constant 0 : index
    %get3A_0 = arith.constant 0 : index
    %get3A_1 = vector.load %arg3[%get3A, %get3A_0] : memref<16384x64xf32, #tpu.memory_space<vmem>>, vector<16384x64xf32>
    %get3A_2 = arith.constant 0 : index
    %get3A_3 = arith.constant 0 : index
    %get3A_4 = vector.load %arg1[%get3A_2, %get3A_3] : memref<1x64xf32, #tpu.memory_space<vmem>>, vector<1x64xf32>
    %mul3A = vector.broadcast %get3A_4 : vector<1x64xf32> to vector<16384x64xf32>
    %mul3A_5 = arith.mulf %get3A_1, %mul3A : vector<16384x64xf32>
    %reduce_sum3A = arith.constant dense<0.000000e+00> : vector<16384xf32>
    %reduce_sum3A_6 = vector.multi_reduction <add>, %mul3A_5, %reduce_sum3A [1] : vector<16384x64xf32> to vector<16384xf32>
    %get3A_7 = arith.constant 0 : index
    %get3A_8 = arith.constant 0 : index
    %get3A_9 = vector.load %arg2[%get3A_7, %get3A_8] : memref<1x1xf32, #tpu.memory_space<vmem>>, vector<1x1xf32>
    %get3A_10 = vector.extract %get3A_9[0, 0] : f32 from vector<1x1xf32>
    %add3A = vector.broadcast %get3A_10 : f32 to vector<16384xf32>
    %add3A_11 = arith.addf %reduce_sum3A_6, %add3A : vector<16384xf32>
    %swap3A = arith.constant 0 : index
    %swap3A_12 = vector.load %arg4[%swap3A] : memref<16384xf32, #tpu.memory_space<vmem>>, vector<16384xf32>
    tpu.vector_store %arg4[%swap3A], %add3A_11 {strides = array<i32>} : memref<16384xf32, #tpu.memory_space<vmem>>, vector<16384xf32>,
    return
  }
  func.func @transform_0(%arg0: i32) -> (i32, i32) {
    %c0_i32 = arith.constant 0 : i32
    %c0_i32_0 = arith.constant 0 : i32
    %c0_i32_1 = arith.constant 0 : i32
    return %c0_i32, %c0_i32_0 : i32, i32
  }
  func.func @transform_1(%arg0: i32) -> (i32, i32) {
    %c0_i32 = arith.constant 0 : i32
    %c0_i32_0 = arith.constant 0 : i32
    %c0_i32_1 = arith.constant 0 : i32
    return %c0_i32, %c0_i32_0 : i32, i32
  }
  func.func @transform_2(%arg0: i32) -> (i32, i32) {
    %c0_i32 = arith.constant 0 : i32
    %c0_i32_0 = arith.constant 0 : i32
    return %arg0, %c0_i32 : i32, i32
  }
  func.func @transform_3(%arg0: i32) -> i32 {
    %c0_i32 = arith.constant 0 : i32
    return %arg0 : i32
  }
}

module attributes {stable_mosaic.version = 14 : i64} {
  func.func @_cmb_body(%arg0: memref<16384xf32, #tpu.memory_space<vmem>>, %arg1: memref<16384xf32, #tpu.memory_space<vmem>>, %arg2: memref<1x16384xf32, #tpu.memory_space<vmem>>) attributes {dimension_semantics = [], scalar_prefetch = 0 : i64, scratch_operands = 0 : i64, tpu.core_type = #tpu.core_type<tc>} {
    %get3A = arith.constant 0 : index
    %get3A_0 = vector.load %arg0[%get3A] : memref<16384xf32, #tpu.memory_space<vmem>>, vector<16384xf32>
    %get3A_1 = arith.constant 0 : index
    %get3A_2 = vector.load %arg1[%get3A_1] : memref<16384xf32, #tpu.memory_space<vmem>>, vector<16384xf32>
    %add3A = arith.addf %get3A_0, %get3A_2 : vector<16384xf32>
    %broadcast_in_dim3A = vector.shape_cast %add3A : vector<16384xf32> to vector<1x16384xf32>
    %swap3A = arith.constant 0 : index
    %swap3A_3 = arith.constant 0 : index
    %swap3A_4 = vector.load %arg2[%swap3A, %swap3A_3] : memref<1x16384xf32, #tpu.memory_space<vmem>>, vector<1x16384xf32>
    tpu.vector_store %arg2[%swap3A, %swap3A_3], %broadcast_in_dim3A {strides = array<i32>} : memref<1x16384xf32, #tpu.memory_space<vmem>>, vector<1x16384xf32>,
    return
  }
}

</mosaic_0001>

<sc_bundles>
// kernel: kernel.5.cloned.1.call-start
scs
__scs_entry_jumppad:
0x0: {  	(pc) =	sbr.rel $0x88, $3  }
0x1: {  	(tag) =	ssettag $0x0;
	lr =	simm.s32 $0x1  }
0x2: {  	[smem:$0x3F9A] =	sst lr;
	_ =	strace $0xD0000000  }
0x3: {  	_ = 	snop  }
0x4: {  	_ = 	snop  }
0x5: {  	_ = 	snop  }
0x6: {  	_ = 	snop  }
0x7: {  	_ = 	snop  }
__scs_overlays_trampoline_lowered:
0x8: {  	[smem:$0x3FA9] =	sst s0  }
0x9: {  	[smem:$0x3FAA] =	sst s1  }
0xa: {  	[smem:$0x3FAB] =	sst s2  }
0xb: {  	[smem:$0x3FAC] =	sst s3  }
0xc: {  	[smem:$0x3FAD] =	sst s4  }
0xd: {  	[smem:$0x3FAE] =	sst s5  }
0xe: {  	[smem:$0x3FAF] =	sst s6  }
0xf: {  	[smem:$0x3FB0] =	sst s7  }
0x10: {  	[smem:$0x3FB1] =	sst s8  }
0x11: {  	[smem:$0x3FB2] =	sst s9;
	s0 =	simm.s32 @!p0 $0x0  }
0x12: {  	s1 =	sld [smem:$0x3F98];
	s0 =	simm.s32 @p0 $0x1  }
0x13: {  	[smem:$0x3FB3] =	sst s0;
	s0 =	simm.s32 @!p1 $0x0  }
0x14: {  	s2 =	sld [smem:$0x3F97];
	s0 =	simm.s32 @p1 $0x1  }
0x15: {  	[smem:$0x3FB4] =	sst s0;
	s0 =	simm.s32 @!p2 $0x0  }
0x16: {  	s3 =	sld [smem:$0x3FDB];
	s0 =	simm.s32 @p2 $0x1  }
0x17: {  	s4 =	simm.s32 $0x1BF5;
	[smem:$0x3FB6] =	sst s0  }
0x18: {  	s0 =	sld [smem:$0x3F99];
	_ =	swait.ge [sflag:s4], $0x0  }
0x19: {  	s7 =	sld [smem:$0x3F9A]  }
0x1a: {  	s8 =	sadd.s32 $0xFFFFE003, lr  }
0x1b: {  	s9 =	sadd.s32 $0xFFFFFEF7, lr;
	s5 =	simm.s32 $0xFFFFFFFF;
	p2 =	slt.u32 s8, $0xFFFFF086  }
0x1c: {  	p1 =	slt.u32 s9, $0xF7A;
	s5 =	simm.s32 @!p2 $0x0  }
0x1d: {  	s5 =	simm.s32 @p1 $0x1;
	p0 =	seq.s32 s7, s2  }
0x1e: {  	s7 =	smul.u32 @!p0 $0xF7A, s2;
	p2 =	seq.s32 @!p0 s5, $0x0  }
0x1f: {  	s9 =	smul.u32 $0xF7A, s1;
	s8 =	simm.s32 @!p0 $0x1BF5;
	p2 =	por !p2, p0  }
0x20: {  	[sflag:s8] =	ssyncset.s32 @!p0 $0xFFFFF086;
	s6 =	sadd.s32 @!p0 s3, s7;
	s7 =	simm.s32 @!p0 $0x108  }
0x21: {  	s3 =	sadd.s32 s3, s9;
	s6 =	sadd.s32 @!p0 $0x88, s6;
	s7 =	simm.s32 @p2 $0x1082  }
0x22: {  	[simem:s7], [sflag:s8] =	dma.local @!p0 [hbm:s6], $0xF7A  }
0x23: {  	s9 =	sor.u32 $0xD0000000, s2;
	s6 =	simm.s32 $0x108;
	_ =	swait.ge @!p0 [sflag:s8], $0x0  }
0x24: {  	s3 =	sadd.s32 $0x88, s3;
	s6 =	simm.s32 @!p1 $0x1082;
	[sflag:s4] =	ssyncset.s32 $0xFFFFF086  }
0x25: {  	[simem:s6], [sflag:s4] =	dma.local [hbm:s3], $0xF7A  }
0x26: {  	[smem:$0x3F9A] =	sst s1;
	(tag) =	ssettag s2;
	_ =	strace s9  }
0x27: {  	s1 =	sld [smem:$0x3FAA]  }
0x28: {  	s2 =	sld [smem:$0x3FAB]  }
0x29: {  	s4 =	sld [smem:$0x3FAD]  }
0x2a: {  	p0 =	seq.s32 s5, $0x0;
	s5 =	sld [smem:$0x3FAE]  }
0x2b: {  	s6 =	sld [smem:$0x3FAF]  }
0x2c: {  	s7 =	sld [smem:$0x3FB0]  }
0x2d: {  	s3 =	simm.s32 $0x108;
	s8 =	sld [smem:$0x3FB1]  }
0x2e: {  	s3 =	simm.s32 @!p0 $0x1082;
	s9 =	sld [smem:$0x3FB2]  }
0x2f: {  	lr =	sadd.s32 s0, s3;
	s0 =	sld [smem:$0x3FA9]  }
0x30: {  	s3 =	sld [smem:$0x3FAC]  }
0x31: {  	[smem:$0x3FB5] =	sst s10  }
0x32: {  	s10 =	sld [smem:$0x3FB3];
	_ =	sdelay $0x3  }
0x33: {  	p0 =	seq.s32 s10, $0x1;
	s10 =	sld [smem:$0x3FB5];
	_ =	sdelay $0x3  }
0x34: {  	[smem:$0x3FB5] =	sst s10  }
0x35: {  	s10 =	sld [smem:$0x3FB4];
	_ =	sdelay $0x3  }
0x36: {  	p1 =	seq.s32 s10, $0x1;
	s10 =	sld [smem:$0x3FB5];
	_ =	sdelay $0x3  }
0x37: {  	[smem:$0x3FB5] =	sst s10  }
0x38: {  	s10 =	sld [smem:$0x3FB6]  }
0x39: {  	_ = 	snop;
	(pc) =	sbr.ind lr, $3  }
0x3a: {  	_ = 	snop  }
0x3b: {  	_ = 	snop  }
0x3c: {  	p2 =	seq.s32 s10, $0x1;
	s10 =	sld [smem:$0x3FB5]  }
0x3d: {  	_ =	shalt  }
0x3e: {  	_ =	shalt  }
0x3f: {  	_ =	shalt  }
0x40: {  	_ =	shalt  }
0x41: {  	_ =	shalt  }
0x42: {  	_ =	shalt  }
0x43: {  	_ =	shalt  }
0x44: {  	_ =	shalt  }
0x45: {  	_ =	shalt  }
0x46: {  	_ =	shalt  }
0x47: {  	_ =	shalt  }
0x48: {  	_ =	shalt  }
0x49: {  	_ =	shalt  }
0x4a: {  	_ =	shalt  }
0x4b: {  	_ =	shalt  }
0x4c: {  	_ =	shalt  }
0x4d: {  	_ =	shalt  }
0x4e: {  	_ =	shalt  }
0x4f: {  	_ =	shalt  }
0x50: {  	_ =	shalt  }
0x51: {  	_ =	shalt  }
0x52: {  	_ =	shalt  }
0x53: {  	_ =	shalt  }
0x54: {  	_ =	shalt  }
0x55: {  	_ =	shalt  }
0x56: {  	_ =	shalt  }
0x57: {  	_ =	shalt  }
0x58: {  	_ =	shalt  }
0x59: {  	_ =	shalt  }
0x5a: {  	_ =	shalt  }
0x5b: {  	_ =	shalt  }
0x5c: {  	_ =	shalt  }
0x5d: {  	_ =	shalt  }
0x5e: {  	_ =	shalt  }
0x5f: {  	_ =	shalt  }
0x60: {  	_ =	shalt  }
0x61: {  	_ =	shalt  }
0x62: {  	_ =	shalt  }
0x63: {  	_ =	shalt  }
0x64: {  	_ =	shalt  }
0x65: {  	_ =	shalt  }
0x66: {  	_ =	shalt  }
0x67: {  	_ =	shalt  }
0x68: {  	_ =	shalt  }
0x69: {  	_ =	shalt  }
0x6a: {  	_ =	shalt  }
0x6b: {  	_ =	shalt  }
0x6c: {  	_ =	shalt  }
0x6d: {  	_ =	shalt  }
0x6e: {  	_ =	shalt  }
0x6f: {  	_ =	shalt  }
0x70: {  	_ =	shalt  }
0x71: {  	_ =	shalt  }
0x72: {  	_ =	shalt  }
0x73: {  	_ =	shalt  }
0x74: {  	_ =	shalt  }
0x75: {  	_ =	shalt  }
0x76: {  	_ =	shalt  }
0x77: {  	_ =	shalt  }
0x78: {  	_ =	shalt  }
0x79: {  	_ =	shalt  }
0x7a: {  	_ =	shalt  }
0x7b: {  	_ =	shalt  }
0x7c: {  	_ =	shalt  }
0x7d: {  	_ =	shalt  }
0x7e: {  	_ =	shalt  }
0x7f: {  	_ =	shalt  }
0x80: {  	_ =	shalt  }
0x81: {  	_ =	shalt  }
0x82: {  	_ =	shalt  }
0x83: {  	_ =	shalt  }
0x84: {  	_ =	shalt  }
0x85: {  	_ =	shalt  }
0x86: {  	_ =	shalt  }
0x87: {  	_ =	shalt  }
.Lfunc_end0:
.L_simem_size_0:
called_computation_lowered:
.L_overlay_start_0:
0x88: {  	s2 =	sld [smem:$0x3FD9]  }
0x89: {  	s3 =	sld [smem:$0x3FFE];
	_ =	sdelay $0x1  }
0x8a: {  	s1 =	srdreg.scid  }
0x8b: {  	s0 =	sand.u32 $0x1, s1  }
0x8c: {  	s18 =	sshll.u32 s0, $0xA;
	s2 =	sadd.s32 s3, s2  }
0x8d: {  	s2 =	sadd.s32 s2, s18  }
0x8e: {  	[smem:$0x3FC1] =	sst s2  }
0x8f: {  	_ = 	snop  }
0x90: {  	s2 =	sld [smem:$0x3FC8]  }
0x91: {  	s19 =	sld [smem:$0x3FC7]  }
0x92: {  	s4 =	sld [smem:$0x3FC4]  }
0x93: {  	s5 =	sld [smem:$0x3FC3]  }
0x94: {  	s6 =	sld [smem:$0x3FD0];
	(tm) =	ssettm $0x1  }
0x95: {  	s7 =	sld [smem:$0x3FFB];
	_ =	sdelay $0x3  }
0x96: {  	_ =	strace s7  }
0x97: {  	s7 =	sld [smem:$0x3FFC];
	_ =	sdelay $0x3  }
0x98: {  	_ =	strace s7  }
0x99: {  	s7 =	sld [smem:$0x3FFD];
	_ =	sdelay $0x3  }
0x9a: {  	_ =	strace s7  }
0x9b: {  	_ =	strace $0x8FFFFFFF  }
0x9c: {  	s20 =	sld [smem:$0x3FDB];
	_ =	sdelay $0x1  }
0x9d: {  	s8 =	simm.s32 $_scs_section_size  }
0x9e: {  	s9 =	simm.s32 $_size__tile_overlayer_lowered;
	s10 =	simm.s32 $_tile_overlayer_lowered  }
0x9f: {  	s23 =	simm.s32 $0x1BFF;
	s22 =	sshll.u32 s10, $0x1;
	s7 =	sadd.s32 s8, s20  }
0xa0: {  	s11 =	simm.s32 $0x0;
	s21 =	sshll.u32 s9, $0x1;
	s9 =	sadd.s32 s22, s7  }
0xa1: {  	[timem:s11], [sflag:s23] =	dma.local [hbm:s9], s21  }
0xa2: {  	_ =	swait.ge [sflag:s23], s21  }
0xa3: {  	s8 =	ssub.s32 $0x0, s21;
	[sflag:s23] =	ssyncset.done $0x0  }
0xa4: {  	[sflag:s23] =	ssyncadd.s32 s8;
	_ =	sdelay $0x1  }
0xa5: {  	s24 =	simm.s32 $0x1B8B  }
0xa6: {  	_ =	swait.ge [sflag:s24], $0x1  }
0xa7: {  	[sflag:s24] =	ssyncset.done $0x0  }
0xa8: {  	s25 =	simm.s32 $0x1B8E;
	[sflag:s24] =	ssyncadd.s32 $0xFFFFFFFF  }
0xa9: {  	s26 =	simm.s32 $execute0_lowered;
	[smem:$0x3FD2] =	sst s25  }
0xaa: {  	s8 =	sshll.u32 s26, $0x1;
	_ =	strace $0x80000046;
	[dreg:$0x1] =	wrdreg $0xFFFFFFFF  }
0xab: {  	s28 =	simm.s32 $_size_execute0_lowered;
	s7 =	sadd.s32 s7, s8;
	[dreg:$0x0] =	wrdreg $0x0  }
0xac: {  	s8 =	sshll.u32 s28, $0x1;
	[dreg:$0x2] =	wrdreg s7  }
0xad: {  	[dreg:$0x3] =	wrdreg s8  }
0xae: {  	[dreg:$0x4] =	wrdreg $0xC0  }
0xaf: {  	_ =	task [dreg:s11], $0x5FFFF  }
0xb0: {  	[dreg:$0x1] =	wrdreg $0xFFFFFFFF  }
0xb1: {  	[dreg:$0x0] =	wrdreg $0x60  }
0xb2: {  	[dreg:$0x2] =	wrdreg s2  }
0xb3: {  	[dreg:$0x3] =	wrdreg s19  }
0xb4: {  	[dreg:$0x4] =	wrdreg s4  }
0xb5: {  	[dreg:$0x5] =	wrdreg s5  }
0xb6: {  	[dreg:$0x6] =	wrdreg s6  }
0xb7: {  	[dreg:$0x7] =	wrdreg $0x9  }
0xb8: {  	_ =	task.clear_ibuf [dreg:s11], $0x8FFFF;
	_ =	strace $0x90000046  }
0xb9: {  	s29 =	simm.s32 $0x9;
	_ =	strace $0x80000048  }
0xba: {  	_ =	swait.ge [sflag:s29], $0x1  }
0xbb: {  	[sflag:s29] =	ssyncadd.s32 $0xFFFFFFFF  }
0xbc: {  	_ =	strace $0x90000048  }
0xbd: {  	_ =	sfence  }
0xbe: {  	s30 =	sld [smem:$0x0];
	_ =	sdelay $0x2  }
0xbf: {  	s31 =	sshll.u32 s1, $0xD;
	s1 =	sshrl.u32 s1, $0x2  }
0xc0: {  	s3 =	sand.u32 $0x4000, s31;
	s1 =	sadd.s32 s1, s30  }
0xc1: {  	s0 =	sor.u32 s3, s0;
	s1 =	sshll.u32 s1, $0x11  }
0xc2: {  	s0 =	sor.u32 s1, s0  }
0xc3: {  	s0 =	sadd.s32 $0x8F2B, s0  }
0xc4: {  	[sflag:s0] =	ssyncadd.remote.s32 $0x1  }
0xc5: {  	_ =	sfence.sel $0xFFFF  }
0xc6: {  	[dreg:$0x0] =	wrdreg $0xFFFFFFFF;
	(pc) =	sbr.abs _section_cstart, $3  }
0xc7: {  	[dreg:$0x1] =	wrdreg $0xFFFFFFFF  }
0xc8: {  	_ =	task.clear_ibuf [dreg:s11], $0x2FFFF;
	_ =	strace $0x9FFFFFFF  }
0xc9: {  	(tm) =	ssettm $0x7FFFFFFF  }
tec
execute0_lowered:
.L_overlay_start_1:
0x0: {  	(tag) =	ssettag $0x1  }
0x1: {  	s5 =	rddreg [dreg:$0x0]  }
0x2: {  	s6 =	rddreg [dreg:$0x1]  }
0x3: {  	s1 =	rddreg [dreg:$0x2]  }
0x4: {  	s2 =	rddreg [dreg:$0x3]  }
0x5: {  	s7 =	rddreg [dreg:$0x4]  }
0x6: {  	s0 =	rddreg [dreg:$0x5];
	s8 =	srdreg.scid  }
0x7: {  	s4 =	simm.s32 $0x0;
	s3 =	stileid.u32;
	s12 =	simm.s32 $0x600  }
0x8: {  	s13 =	simm.s32 $0x1;
	s14 =	simm.s32 $0x2;
	s8 =	sand.u32 $0x1, s8  }
0x9: {  	s10 =	sshll.u32 s3, $0x7;
	[smem:$0x7FF] =	sst s4;
	s9 =	ssub.s32 $0x2, s8  }
0xa: {  	s8 =	sshll.u32 s8, $0x6;
	_ =	strace $0x80000047;
	s11 =	sshrl.u32 s9, $0x1  }
0xb: {  	s8 =	sor.u32 s8, s10;
	s10 =	simm.s32 $0x200;
	s9 =	ssub.s32 s9, s11  }
0xc: {  	s5 =	sadd.s32 s5, s8;
	s6 =	sadd.s32 s6, s8;
	s7 =	sadd.s32 s7, s8  }
0xd: {  	s11 =	simm.s32 $0x400;
	s8 =	smax.u32 s9, $0x1;
	s9 =	simm.s32 $0x3  }
.LBB2_1:
0xe: {  	[tilespmem:s4], [sflag:$0x3] =	stream.linear.gather [hbm4b:s5+s4], $0x200, $0x38;
	[tilespmem:$0x800] =	vst v63  }
0xf: {  	_ =	swait.ge [sflag:s9], $0x200  }
0x10: {  	[sflag:s9] =	ssyncset.done $0x0  }
0x11: {  	[sflag:s9] =	ssyncadd.s32 $0xFFFFFE00  }
0x12: {  	[tilespmem:s10], [sflag:$0x3] =	stream.linear.gather [hbm4b:s6+s4], $0x200, $0x38;
	[tilespmem:$0x800] =	vst v63  }
0x13: {  	_ =	swait.ge [sflag:s9], $0x200  }
0x14: {  	[sflag:s9] =	ssyncset.done $0x0  }
0x15: {  	[sflag:s9] =	ssyncadd.s32 $0xFFFFFE00  }
0x16: {  	[tilespmem:s11], [sflag:$0x1] =	stream.indirect.gather [hbm4b:s1+s10], $0x1, s4, s10, $0xb8;
	[tilespmem:$0x800] =	vst v63  }
0x17: {  	_ = 	snop  }
0x18: {  	[tilespmem:s12], [sflag:$0x2] =	stream.indirect.gather [hbm4b:s2+s10], $0x1, s10, s10, $0xb8;
	[tilespmem:$0x800] =	vst v63  }
0x19: {  	_ =	swait.ge [sflag:s13], $0x200  }
0x1a: {  	[sflag:s13] =	ssyncset.done $0x0  }
0x1b: {  	[sflag:s13] =	ssyncadd.s32 $0xFFFFFE00  }
0x1c: {  	_ =	swait.ge [sflag:s14], $0x200  }
0x1d: {  	[sflag:s14] =	ssyncset.done $0x0  }
0x1e: {  	[sflag:s14] =	ssyncadd.s32 $0xFFFFFE00  }
0x1f: {  	v0 =	vld [tilespmem:$0x400]  }
0x20: {  	v1 =	vld [tilespmem:$0x600]  }
0x21: {  	v2 =	vld [tilespmem:$0x410]  }
0x22: {  	v3 =	vld [tilespmem:$0x610]  }
0x23: {  	v4 =	vld [tilespmem:$0x420]  }
0x24: {  	v5 =	vld [tilespmem:$0x620]  }
0x25: {  	v6 =	vld [tilespmem:$0x430]  }
0x26: {  	v7 =	vld [tilespmem:$0x630]  }
0x27: {  	v8 =	vld [tilespmem:$0x440]  }
0x28: {  	v9 =	vld [tilespmem:$0x640]  }
0x29: {  	v10 =	vld [tilespmem:$0x450]  }
0x2a: {  	v11 =	vld [tilespmem:$0x650]  }
0x2b: {  	v12 =	vld [tilespmem:$0x460]  }
0x2c: {  	v13 =	vld [tilespmem:$0x660]  }
0x2d: {  	v14 =	vld [tilespmem:$0x470]  }
0x2e: {  	v15 =	vld [tilespmem:$0x670]  }
0x2f: {  	v16 =	vld [tilespmem:$0x480]  }
0x30: {  	v17 =	vld [tilespmem:$0x680]  }
0x31: {  	v18 =	vld [tilespmem:$0x490]  }
0x32: {  	v19 =	vld [tilespmem:$0x690]  }
0x33: {  	v20 =	vld [tilespmem:$0x4A0]  }
0x34: {  	v21 =	vld [tilespmem:$0x6A0]  }
0x35: {  	v22 =	vld [tilespmem:$0x4B0]  }
0x36: {  	v23 =	vld [tilespmem:$0x6B0]  }
0x37: {  	v24 =	vld [tilespmem:$0x4C0]  }
0x38: {  	v25 =	vld [tilespmem:$0x6C0]  }
0x39: {  	v26 =	vld [tilespmem:$0x4D0]  }
0x3a: {  	v27 =	vld [tilespmem:$0x6D0]  }
0x3b: {  	v28 =	vld [tilespmem:$0x4E0]  }
0x3c: {  	v29 =	vld [tilespmem:$0x6E0]  }
0x3d: {  	v30 =	vld [tilespmem:$0x4F0]  }
0x3e: {  	v31 =	vld [tilespmem:$0x6F0]  }
0x3f: {  	v32 =	vld [tilespmem:$0x500]  }
0x40: {  	v33 =	vld [tilespmem:$0x700]  }
0x41: {  	v34 =	vld [tilespmem:$0x510]  }
0x42: {  	v35 =	vld [tilespmem:$0x710]  }
0x43: {  	v36 =	vld [tilespmem:$0x520]  }
0x44: {  	v46 =	vld [tilespmem:$0x720];
	v0 =	vadd.f32 v1, v0  }
0x45: {  	v47 =	vld [tilespmem:$0x530];
	v2 =	vadd.f32 v3, v2  }
0x46: {  	v49 =	vld [tilespmem:$0x730];
	v48 =	vadd.f32 v5, v4;
	[tilespmem:$0x400] =	vst v0  }
0x47: {  	v51 =	vld [tilespmem:$0x540];
	v50 =	vadd.f32 v7, v6;
	[tilespmem:$0x410] =	vst v2  }
0x48: {  	v53 =	vld [tilespmem:$0x740];
	v52 =	vadd.f32 v9, v8;
	[tilespmem:$0x420] =	vst v48  }
0x49: {  	v55 =	vld [tilespmem:$0x550];
	v54 =	vadd.f32 v11, v10;
	[tilespmem:$0x430] =	vst v50  }
0x4a: {  	v57 =	vld [tilespmem:$0x750];
	v56 =	vadd.f32 v13, v12;
	[tilespmem:$0x440] =	vst v52  }
0x4b: {  	v59 =	vld [tilespmem:$0x560];
	v58 =	vadd.f32 v15, v14;
	[tilespmem:$0x450] =	vst v54  }
0x4c: {  	v61 =	vld [tilespmem:$0x760];
	v60 =	vadd.f32 v17, v16;
	[tilespmem:$0x460] =	vst v56  }
0x4d: {  	v63 =	vld [tilespmem:$0x570];
	v62 =	vadd.f32 v19, v18;
	[tilespmem:$0x470] =	vst v58  }
0x4e: {  	v37 =	vld [tilespmem:$0x5A0];
	v20 =	vadd.f32 v21, v20;
	[tilespmem:$0x480] =	vst v60  }
0x4f: {  	v39 =	vld [tilespmem:$0x7A0];
	v22 =	vadd.f32 v23, v22;
	[tilespmem:$0x490] =	vst v62  }
0x50: {  	v41 =	vld [tilespmem:$0x5B0];
	v24 =	vadd.f32 v25, v24;
	[tilespmem:$0x4A0] =	vst v20  }
0x51: {  	v43 =	vld [tilespmem:$0x7B0];
	v26 =	vadd.f32 v27, v26;
	[tilespmem:$0x4B0] =	vst v22  }
0x52: {  	v45 =	vld [tilespmem:$0x5C0];
	v28 =	vadd.f32 v29, v28;
	[tilespmem:$0x4C0] =	vst v24  }
0x53: {  	v21 =	vld [tilespmem:$0x770];
	v31 =	vadd.f32 v31, v30;
	[tilespmem:$0x4D0] =	vst v26  }
0x54: {  	v23 =	vld [tilespmem:$0x580];
	v38 =	vadd.f32 v33, v32;
	[tilespmem:$0x4E0] =	vst v28  }
0x55: {  	v25 =	vld [tilespmem:$0x780];
	v40 =	vadd.f32 v35, v34;
	[tilespmem:$0x4F0] =	vst v31  }
0x56: {  	v27 =	vld [tilespmem:$0x590];
	v42 =	vadd.f32 v46, v36;
	[tilespmem:$0x500] =	vst v38  }
0x57: {  	v29 =	vld [tilespmem:$0x790];
	v44 =	vadd.f32 v49, v47;
	[tilespmem:$0x510] =	vst v40  }
0x58: {  	v46 =	vadd.f32 v53, v51;
	v47 =	vld [tilespmem:$0x7C0];
	[tilespmem:$0x520] =	vst v42  }
0x59: {  	v49 =	vld [tilespmem:$0x5D0];
	v1 =	vadd.f32 v43, v41;
	[tilespmem:$0x530] =	vst v44  }
0x5a: {  	v51 =	vld [tilespmem:$0x7D0];
	v48 =	vadd.f32 v57, v55;
	[tilespmem:$0x540] =	vst v46  }
0x5b: {  	v53 =	vld [tilespmem:$0x5E0];
	v50 =	vadd.f32 v61, v59;
	[tilespmem:$0x5B0] =	vst v1  }
0x5c: {  	v55 =	vld [tilespmem:$0x7E0];
	v58 =	vadd.f32 v39, v37;
	[tilespmem:$0x550] =	vst v48  }
0x5d: {  	v57 =	vld [tilespmem:$0x5F0];
	[tilespmem:$0x560] =	vst v50;
	v52 =	vadd.f32 v21, v63  }
0x5e: {  	v59 =	vld [tilespmem:$0x7F0];
	[tilespmem:$0x5A0] =	vst v58;
	v54 =	vadd.f32 v25, v23  }
0x5f: {  	v56 =	vadd.f32 v29, v27;
	[tilespmem:$0x570] =	vst v52  }
0x60: {  	v60 =	vadd.f32 v47, v45;
	[tilespmem:$0x580] =	vst v54  }
0x61: {  	v61 =	vadd.f32 v51, v49;
	[tilespmem:$0x590] =	vst v56  }
0x62: {  	[tilespmem:$0x5C0] =	vst v60;
	v62 =	vadd.f32 v55, v53  }
0x63: {  	[tilespmem:$0x5D0] =	vst v61;
	v63 =	vadd.f32 v59, v57  }
0x64: {  	p0 =	sne.s32 s8, $0x1;
	[tilespmem:$0x5E0] =	vst v62  }
.Ltmp0:
0x65: {  	[tilespmem:$0x5F0] =	vst v63;
	(pc) =	sbr.rel @p0 .LBB2_1-.Ltmp0, $4  }
0x66: {  	[hbm4b:s7+s4] =	stream.linear.scatter [tilespmem:s11], [sflag:$0x3], $0x200, $0x38;
	[tilespmem:$0x800] =	vst v63  }
0x67: {  	_ =	swait.ge [sflag:s9], $0x200  }
0x68: {  	[sflag:s9] =	ssyncset.done $0x0  }
0x69: {  	s8 =	sadd.s32 $0xFFFFFFFF, s8;
	[sflag:s9] =	ssyncadd.s32 $0xFFFFFE00  }
0x6a: {  	_ =	sfence.sel $0x180000  }
0x6b: {  	[bflag:$0x0] =	sbarrier.arrive $0xFFFF  }
0x6c: {  	p0 =	sne.s32 s3, $0x0;
	_ =	strace $0x90000047  }
0x6d: {  	s0 =	sadd.s32 @!p0 $0x100000, s0;
	[bflag:$0x2] =	sbarrier.arrive $0xFFFF  }
0x6e: {  	[sflag:s0] =	ssyncadd.tile.s32 @!p0 $0x1;
	_ =	shalt  }
.Lfunc_end2:
_tile_overlayer_lowered:
.L_overlay_start_2:
0x6f: {  	(tag) =	ssettag $0x2  }
0x70: {  	s0 =	rddreg [dreg:$0x0];
	s2 =	stileid.u32  }
0x71: {  	s1 =	rddreg [dreg:$0x1];
	p0 =	sne.s32 s2, $0x0  }
0x72: {  	s3 =	rddreg [dreg:$0x2];
	[bflag:$0x3] =	sbarrier.arrive $0xFFFF;
	s2 =	simm.s32 @!p0 $0x1C03  }
0x73: {  	[timem:s3], [sflag:s2] =	dma.local @!p0 [hbm:s0], s1  }
0x74: {  	s0 =	simm.s32 @!p0 $0x3  }
0x75: {  	_ =	swait.ge @!p0 [sflag:s0], s1  }
0x76: {  	s1 =	ssub.s32 @!p0 $0x0, s1;
	[sflag:s0] =	ssyncset.done @!p0 $0x0  }
0x77: {  	[sflag:s0] =	ssyncadd.s32 @!p0 s1  }
0x78: {  	[bflag:$0x3] =	sbarrier.arrive $0xFFFF  }
0x79: {  	_ =	shalt  }

</sc_bundles>
